<compile_context>
chip_gen: v7x
topology: tpu7x:2x2x1
jax: 0.10.2.dev20260603
libtpu: 0.0.44.dev20260713+nightly
codegen_flags: <defaults>
</compile_context>

<pallas_src>
import functools

import jax
import jax.numpy as jnp
from jax import lax
from jax.experimental import pallas as pl
from jax.experimental.pallas import tpu as pltpu
from jax.experimental.pallas import tpu_sc as plsc

_HIDDEN = 128
_LANES = 16
_BCONST = 3.2

_MESH = plsc.VectorSubcoreMesh(
    core_axis_name="c", subcore_axis_name="s", num_cores=1, num_subcores=1
)


@functools.partial(
    pl.kernel,
    out_type=jax.ShapeDtypeStruct((1,), jnp.float32),
    mesh=_MESH,
    scratch_types=[
        pltpu.VMEM((2,), jnp.int32),
        pltpu.VMEM((2, _HIDDEN), jnp.float32),
        pltpu.VMEM((2, _HIDDEN), jnp.float32),
        pltpu.VMEM((_LANES,), jnp.float32),
        pltpu.VMEM((_LANES,), jnp.float32),
        pltpu.VMEM((_LANES,), jnp.float32),
        pltpu.SemaphoreType.DMA,
    ],
    compiler_params=pltpu.CompilerParams(
        needs_layout_passes=False, use_tc_tiling_on_sc=False
    ),
)
def _autorec_sc(row, P, Q, b_u, b_i, out, idx_v, p_v, q_v, bu_v, bi_v, out_v, sem):
    wid = lax.axis_index("s") + lax.axis_index("c")

    @pl.when(wid == 0)
    def _():
        pltpu.sync_copy(row, idx_v)

        cp = pltpu.async_copy(P.at[idx_v], p_v, sem)
        cq = pltpu.async_copy(Q.at[idx_v], q_v, sem)
        cbu = pltpu.async_copy(b_u.at[idx_v], bu_v.at[pl.ds(0, 2)], sem)
        cbi = pltpu.async_copy(b_i.at[idx_v], bi_v.at[pl.ds(0, 2)], sem)
        cp.wait()
        cq.wait()

        acc = p_v[0, pl.ds(0, _LANES)] * q_v[1, pl.ds(0, _LANES)]
        for j in range(1, _HIDDEN // _LANES):
            acc = acc + p_v[0, pl.ds(j * _LANES, _LANES)] * q_v[1, pl.ds(j * _LANES, _LANES)]

        cbu.wait()
        cbi.wait()
        lane = lax.iota(jnp.int32, _LANES)
        zero = jnp.zeros((_LANES,), jnp.float32)
        acc = acc + jnp.where(lane == 0, bu_v[...], zero)
        acc = acc + jnp.where(lane == 1, bi_v[...], zero)

        total = jnp.sum(acc) + jnp.float32(_BCONST)
        out_v[...] = jnp.full((_LANES,), total, jnp.float32)
        pltpu.sync_copy(out_v.at[pl.ds(0, 1)], out)


def kernel(row, P, Q, b_u, b_i):
    return jnp.reshape(_autorec_sc(row.astype(jnp.int32), P, Q, b_u, b_i), ())

# --- scband reference (transcript-rebuilt; emitter-appended) ---
"""Pipeline reference for scband-auto-rec-12756052869826 (READ-ONLY COPY).

The authoritative reference and input builder live on the scoring server;
editing this copy changes nothing except your own understanding.
"""

import jax, jax.numpy as jnp
import numpy as np

NUM_USERS = 100000
NUM_ITEMS = 100000
HIDDEN = 128
B_CONST = 3.2


def setup_inputs(seed: int = 0) -> dict:
    key = jax.random.key(seed)
    k1, k2, k3, k4, k5 = jax.random.split(key, 5)
    row = jax.random.randint(k1, (2,), 0, min(NUM_USERS, NUM_ITEMS), dtype=jnp.int64) if jax.config.jax_enable_x64 else jax.random.randint(k1, (2,), 0, min(NUM_USERS, NUM_ITEMS), dtype=jnp.int32)
    P = jax.random.normal(k2, (NUM_USERS, HIDDEN), dtype=jnp.float32)
    Q = jax.random.normal(k3, (NUM_ITEMS, HIDDEN), dtype=jnp.float32)
    b_u = jax.random.normal(k4, (NUM_USERS,), dtype=jnp.float32)
    b_i = jax.random.normal(k5, (NUM_ITEMS,), dtype=jnp.float32)
    return {"row": row, "P": P, "Q": Q, "b_u": b_u, "b_i": b_i}


def reference(row, P, Q, b_u, b_i):
    u = row[0]
    i = row[1]
    # out = P[u].dot(Q[i]) + b_u[u] + b_i[i] + b
    out = jnp.dot(jnp.take(P, u, axis=0), jnp.take(Q, i, axis=0)) + jnp.take(b_u, u) + jnp.take(b_i, i) + B_CONST
    return out

if __name__ == "__main__":
    import jax
    _d = setup_inputs()
    print(jax.jit(kernel)(*tuple(_d.values())))

</pallas_src>

<mosaic_0001>
#map = affine_map<(d0, d1) -> (0)>
#map1 = affine_map<(d0, d1) -> (0, 0)>
module attributes {stable_mosaic.version = 14 : i64} {
  func.func @_autorec_sc(%arg0: i32, %arg1: i32, %arg2: memref<2xi32, #tpu.memory_space<hbm>>, %arg3: memref<100000x128xf32, #tpu.memory_space<hbm>>, %arg4: memref<100000x128xf32, #tpu.memory_space<hbm>>, %arg5: memref<100000xf32, #tpu.memory_space<hbm>>, %arg6: memref<100000xf32, #tpu.memory_space<hbm>>, %arg7: memref<1xf32, #tpu.memory_space<hbm>>, %arg8: memref<2xi32, #tpu.memory_space<vmem>>, %arg9: memref<2x128xf32, #tpu.memory_space<vmem>>, %arg10: memref<2x128xf32, #tpu.memory_space<vmem>>, %arg11: memref<16xf32, #tpu.memory_space<vmem>>, %arg12: memref<16xf32, #tpu.memory_space<vmem>>, %arg13: memref<16xf32, #tpu.memory_space<vmem>>, %arg14: memref<!tpu.dma_semaphore, #tpu.memory_space<semaphore_mem>>) attributes {dimension_semantics = [#tpu.dimension_semantics<core_parallel>, #tpu.dimension_semantics<subcore_parallel>], iteration_bounds = array<i64: 1, 1>, scalar_prefetch = 0 : i64, scratch_operands = 7 : i64, tpu.core_type = #tpu.core_type<sc_vector_subcore>, window_params = [{transform_indices = #map}, {transform_indices = #map1}, {transform_indices = #map1}, {transform_indices = #map}, {transform_indices = #map}, {transform_indices = #map}]} {
    %add3A = arith.addi %arg1, %arg0 : i32
    %eq3A = arith.constant 0 : i32
    %eq3A_0 = arith.cmpi eq, %add3A, %eq3A : i32
    %convert_element_type3A = arith.extui %eq3A_0 : i1 to i32
    %cond3A = arith.constant 0 : i32
    %cond3A_1 = arith.cmpi ne, %convert_element_type3A, %cond3A : i32
    scf.if %cond3A_1 {
      "tpu.region"() ({
        %run_scoped3A = tpu.sem_alloc : memref<!tpu.dma_semaphore, #tpu.memory_space<semaphore_mem>>
        tpu.enqueue_dma source(%arg2 : memref<2xi32, #tpu.memory_space<hbm>>) target(%arg8 : memref<2xi32, #tpu.memory_space<vmem>>) target_semaphore(%run_scoped3A : memref<!tpu.dma_semaphore, #tpu.memory_space<semaphore_mem>>)
        tpu.wait_dma2 semaphore(%run_scoped3A : memref<!tpu.dma_semaphore, #tpu.memory_space<semaphore_mem>>) src(%arg2 : memref<2xi32, #tpu.memory_space<hbm>>) dst(%arg8 : memref<2xi32, #tpu.memory_space<vmem>>)
        tpu.yield
      }) : () -> ()
      %dma_start3A = arith.constant 0 : i32
      %dma_start3A_2 = arith.constant 0 : i32
      %dma_start3A_3 = tpu.memref_slice %arg3[%dma_start3A, %dma_start3A_2] : memref<100000x128xf32, #tpu.memory_space<hbm>> -> memref<100000x128xf32, #tpu.memory_space<hbm>>
      tpu.enqueue_indirect_dma source(%dma_start3A_3 : memref<100000x128xf32, #tpu.memory_space<hbm>>) target(%arg9 : memref<2x128xf32, #tpu.memory_space<vmem>>) offsets(%arg8 : memref<2xi32, #tpu.memory_space<vmem>>) semaphore(%arg14 : memref<!tpu.dma_semaphore, #tpu.memory_space<semaphore_mem>>)
      %dma_start3A_4 = arith.constant 0 : i32
      %dma_start3A_5 = arith.constant 0 : i32
      %dma_start3A_6 = tpu.memref_slice %arg4[%dma_start3A_4, %dma_start3A_5] : memref<100000x128xf32, #tpu.memory_space<hbm>> -> memref<100000x128xf32, #tpu.memory_space<hbm>>
      tpu.enqueue_indirect_dma source(%dma_start3A_6 : memref<100000x128xf32, #tpu.memory_space<hbm>>) target(%arg10 : memref<2x128xf32, #tpu.memory_space<vmem>>) offsets(%arg8 : memref<2xi32, #tpu.memory_space<vmem>>) semaphore(%arg14 : memref<!tpu.dma_semaphore, #tpu.memory_space<semaphore_mem>>)
      %dma_start3A_7 = arith.constant 0 : i32
      %dma_start3A_8 = tpu.memref_slice %arg11[%dma_start3A_7] : memref<16xf32, #tpu.memory_space<vmem>> -> memref<2xf32, #tpu.memory_space<vmem>>
      %dma_start3A_9 = arith.constant 0 : i32
      %dma_start3A_10 = tpu.memref_slice %arg5[%dma_start3A_9] : memref<100000xf32, #tpu.memory_space<hbm>> -> memref<100000xf32, #tpu.memory_space<hbm>>
      tpu.enqueue_indirect_dma source(%dma_start3A_10 : memref<100000xf32, #tpu.memory_space<hbm>>) target(%dma_start3A_8 : memref<2xf32, #tpu.memory_space<vmem>>) offsets(%arg8 : memref<2xi32, #tpu.memory_space<vmem>>) semaphore(%arg14 : memref<!tpu.dma_semaphore, #tpu.memory_space<semaphore_mem>>)
      %dma_start3A_11 = arith.constant 0 : i32
      %dma_start3A_12 = tpu.memref_slice %arg12[%dma_start3A_11] : memref<16xf32, #tpu.memory_space<vmem>> -> memref<2xf32, #tpu.memory_space<vmem>>
      %dma_start3A_13 = arith.constant 0 : i32
      %dma_start3A_14 = tpu.memref_slice %arg6[%dma_start3A_13] : memref<100000xf32, #tpu.memory_space<hbm>> -> memref<100000xf32, #tpu.memory_space<hbm>>
      tpu.enqueue_indirect_dma source(%dma_start3A_14 : memref<100000xf32, #tpu.memory_space<hbm>>) target(%dma_start3A_12 : memref<2xf32, #tpu.memory_space<vmem>>) offsets(%arg8 : memref<2xi32, #tpu.memory_space<vmem>>) semaphore(%arg14 : memref<!tpu.dma_semaphore, #tpu.memory_space<semaphore_mem>>)
      %dma_wait3A = arith.constant 0 : i32
      %dma_wait3A_15 = arith.constant 0 : i32
      %dma_wait3A_16 = tpu.memref_slice %arg3[%dma_wait3A, %dma_wait3A_15] : memref<100000x128xf32, #tpu.memory_space<hbm>> -> memref<100000x128xf32, #tpu.memory_space<hbm>>
      tpu.wait_indirect_dma semaphore(%arg14 : memref<!tpu.dma_semaphore, #tpu.memory_space<semaphore_mem>>) src(%dma_wait3A_16 : memref<100000x128xf32, #tpu.memory_space<hbm>>) dst(%arg9 : memref<2x128xf32, #tpu.memory_space<vmem>>)
      %dma_wait3A_17 = arith.constant 0 : i32
      %dma_wait3A_18 = arith.constant 0 : i32
      %dma_wait3A_19 = tpu.memref_slice %arg4[%dma_wait3A_17, %dma_wait3A_18] : memref<100000x128xf32, #tpu.memory_space<hbm>> -> memref<100000x128xf32, #tpu.memory_space<hbm>>
      tpu.wait_indirect_dma semaphore(%arg14 : memref<!tpu.dma_semaphore, #tpu.memory_space<semaphore_mem>>) src(%dma_wait3A_19 : memref<100000x128xf32, #tpu.memory_space<hbm>>) dst(%arg10 : memref<2x128xf32, #tpu.memory_space<vmem>>)
      %get3A = arith.constant 0 : i32
      %get3A_20 = arith.index_cast %get3A : i32 to index
      %get3A_21 = arith.constant 0 : index
      %get3A_22 = tpu.vector_load %arg9[%get3A_20, %get3A_21] {strides = array<i32>} : memref<2x128xf32, #tpu.memory_space<vmem>>, vector<16xf32>,
      %get3A_23 = arith.constant 1 : i32
      %get3A_24 = arith.index_cast %get3A_23 : i32 to index
      %get3A_25 = arith.constant 0 : index
      %get3A_26 = tpu.vector_load %arg10[%get3A_24, %get3A_25] {strides = array<i32>} : memref<2x128xf32, #tpu.memory_space<vmem>>, vector<16xf32>,
      %mul3A = arith.mulf %get3A_22, %get3A_26 : vector<16xf32>
      %get3A_27 = arith.constant 0 : i32
      %get3A_28 = arith.index_cast %get3A_27 : i32 to index
      %get3A_29 = arith.constant 16 : index
      %get3A_30 = tpu.vector_load %arg9[%get3A_28, %get3A_29] {strides = array<i32>} : memref<2x128xf32, #tpu.memory_space<vmem>>, vector<16xf32>,
      %get3A_31 = arith.constant 1 : i32
      %get3A_32 = arith.index_cast %get3A_31 : i32 to index
      %get3A_33 = arith.constant 16 : index
      %get3A_34 = tpu.vector_load %arg10[%get3A_32, %get3A_33] {strides = array<i32>} : memref<2x128xf32, #tpu.memory_space<vmem>>, vector<16xf32>,
      %mul3A_35 = arith.mulf %get3A_30, %get3A_34 : vector<16xf32>
      %add3A_36 = arith.addf %mul3A, %mul3A_35 : vector<16xf32>
      %get3A_37 = arith.constant 0 : i32
      %get3A_38 = arith.index_cast %get3A_37 : i32 to index
      %get3A_39 = arith.constant 32 : index
      %get3A_40 = tpu.vector_load %arg9[%get3A_38, %get3A_39] {strides = array<i32>} : memref<2x128xf32, #tpu.memory_space<vmem>>, vector<16xf32>,
      %get3A_41 = arith.constant 1 : i32
      %get3A_42 = arith.index_cast %get3A_41 : i32 to index
      %get3A_43 = arith.constant 32 : index
      %get3A_44 = tpu.vector_load %arg10[%get3A_42, %get3A_43] {strides = array<i32>} : memref<2x128xf32, #tpu.memory_space<vmem>>, vector<16xf32>,
      %mul3A_45 = arith.mulf %get3A_40, %get3A_44 : vector<16xf32>
      %add3A_46 = arith.addf %add3A_36, %mul3A_45 : vector<16xf32>
      %get3A_47 = arith.constant 0 : i32
      %get3A_48 = arith.index_cast %get3A_47 : i32 to index
      %get3A_49 = arith.constant 48 : index
      %get3A_50 = tpu.vector_load %arg9[%get3A_48, %get3A_49] {strides = array<i32>} : memref<2x128xf32, #tpu.memory_space<vmem>>, vector<16xf32>,
      %get3A_51 = arith.constant 1 : i32
      %get3A_52 = arith.index_cast %get3A_51 : i32 to index
      %get3A_53 = arith.constant 48 : index
      %get3A_54 = tpu.vector_load %arg10[%get3A_52, %get3A_53] {strides = array<i32>} : memref<2x128xf32, #tpu.memory_space<vmem>>, vector<16xf32>,
      %mul3A_55 = arith.mulf %get3A_50, %get3A_54 : vector<16xf32>
      %add3A_56 = arith.addf %add3A_46, %mul3A_55 : vector<16xf32>
      %get3A_57 = arith.constant 0 : i32
      %get3A_58 = arith.index_cast %get3A_57 : i32 to index
      %get3A_59 = arith.constant 64 : index
      %get3A_60 = tpu.vector_load %arg9[%get3A_58, %get3A_59] {strides = array<i32>} : memref<2x128xf32, #tpu.memory_space<vmem>>, vector<16xf32>,
      %get3A_61 = arith.constant 1 : i32
      %get3A_62 = arith.index_cast %get3A_61 : i32 to index
      %get3A_63 = arith.constant 64 : index
      %get3A_64 = tpu.vector_load %arg10[%get3A_62, %get3A_63] {strides = array<i32>} : memref<2x128xf32, #tpu.memory_space<vmem>>, vector<16xf32>,
      %mul3A_65 = arith.mulf %get3A_60, %get3A_64 : vector<16xf32>
      %add3A_66 = arith.addf %add3A_56, %mul3A_65 : vector<16xf32>
      %get3A_67 = arith.constant 0 : i32
      %get3A_68 = arith.index_cast %get3A_67 : i32 to index
      %get3A_69 = arith.constant 80 : index
      %get3A_70 = tpu.vector_load %arg9[%get3A_68, %get3A_69] {strides = array<i32>} : memref<2x128xf32, #tpu.memory_space<vmem>>, vector<16xf32>,
      %get3A_71 = arith.constant 1 : i32
      %get3A_72 = arith.index_cast %get3A_71 : i32 to index
      %get3A_73 = arith.constant 80 : index
      %get3A_74 = tpu.vector_load %arg10[%get3A_72, %get3A_73] {strides = array<i32>} : memref<2x128xf32, #tpu.memory_space<vmem>>, vector<16xf32>,
      %mul3A_75 = arith.mulf %get3A_70, %get3A_74 : vector<16xf32>
      %add3A_76 = arith.addf %add3A_66, %mul3A_75 : vector<16xf32>
      %get3A_77 = arith.constant 0 : i32
      %get3A_78 = arith.index_cast %get3A_77 : i32 to index
      %get3A_79 = arith.constant 96 : index
      %get3A_80 = tpu.vector_load %arg9[%get3A_78, %get3A_79] {strides = array<i32>} : memref<2x128xf32, #tpu.memory_space<vmem>>, vector<16xf32>,
      %get3A_81 = arith.constant 1 : i32
      %get3A_82 = arith.index_cast %get3A_81 : i32 to index
      %get3A_83 = arith.constant 96 : index
      %get3A_84 = tpu.vector_load %arg10[%get3A_82, %get3A_83] {strides = array<i32>} : memref<2x128xf32, #tpu.memory_space<vmem>>, vector<16xf32>,
      %mul3A_85 = arith.mulf %get3A_80, %get3A_84 : vector<16xf32>
      %add3A_86 = arith.addf %add3A_76, %mul3A_85 : vector<16xf32>
      %get3A_87 = arith.constant 0 : i32
      %get3A_88 = arith.index_cast %get3A_87 : i32 to index
      %get3A_89 = arith.constant 112 : index
      %get3A_90 = tpu.vector_load %arg9[%get3A_88, %get3A_89] {strides = array<i32>} : memref<2x128xf32, #tpu.memory_space<vmem>>, vector<16xf32>,
      %get3A_91 = arith.constant 1 : i32
      %get3A_92 = arith.index_cast %get3A_91 : i32 to index
      %get3A_93 = arith.constant 112 : index
      %get3A_94 = tpu.vector_load %arg10[%get3A_92, %get3A_93] {strides = array<i32>} : memref<2x128xf32, #tpu.memory_space<vmem>>, vector<16xf32>,
      %mul3A_95 = arith.mulf %get3A_90, %get3A_94 : vector<16xf32>
      %add3A_96 = arith.addf %add3A_86, %mul3A_95 : vector<16xf32>
      %dma_wait3A_97 = arith.constant 0 : i32
      %dma_wait3A_98 = tpu.memref_slice %arg11[%dma_wait3A_97] : memref<16xf32, #tpu.memory_space<vmem>> -> memref<2xf32, #tpu.memory_space<vmem>>
      %dma_wait3A_99 = arith.constant 0 : i32
      %dma_wait3A_100 = tpu.memref_slice %arg5[%dma_wait3A_99] : memref<100000xf32, #tpu.memory_space<hbm>> -> memref<100000xf32, #tpu.memory_space<hbm>>
      tpu.wait_indirect_dma semaphore(%arg14 : memref<!tpu.dma_semaphore, #tpu.memory_space<semaphore_mem>>) src(%dma_wait3A_100 : memref<100000xf32, #tpu.memory_space<hbm>>) dst(%dma_wait3A_98 : memref<2xf32, #tpu.memory_space<vmem>>)
      %dma_wait3A_101 = arith.constant 0 : i32
      %dma_wait3A_102 = tpu.memref_slice %arg12[%dma_wait3A_101] : memref<16xf32, #tpu.memory_space<vmem>> -> memref<2xf32, #tpu.memory_space<vmem>>
      %dma_wait3A_103 = arith.constant 0 : i32
      %dma_wait3A_104 = tpu.memref_slice %arg6[%dma_wait3A_103] : memref<100000xf32, #tpu.memory_space<hbm>> -> memref<100000xf32, #tpu.memory_space<hbm>>
      tpu.wait_indirect_dma semaphore(%arg14 : memref<!tpu.dma_semaphore, #tpu.memory_space<semaphore_mem>>) src(%dma_wait3A_104 : memref<100000xf32, #tpu.memory_space<hbm>>) dst(%dma_wait3A_102 : memref<2xf32, #tpu.memory_space<vmem>>)
      %iota3A = tpu.iota {dimensions = array<i32: 0>} : vector<16xi32>
      %broadcast_in_dim3A = arith.constant 0.000000e+00 : f32
      %broadcast_in_dim3A_105 = vector.broadcast %broadcast_in_dim3A : f32 to vector<16xf32>
      %eq3A_106 = arith.constant 0 : i32
      %eq3A_107 = vector.broadcast %eq3A_106 : i32 to vector<16xi32>
      %eq3A_108 = arith.cmpi eq, %iota3A, %eq3A_107 : vector<16xi32>
      %get3A_109 = arith.constant 0 : index
      %get3A_110 = tpu.vector_load %arg11[%get3A_109] {strides = array<i32>} : memref<16xf32, #tpu.memory_space<vmem>>, vector<16xf32>,
      %select_n3A = arith.select %eq3A_108, %get3A_110, %broadcast_in_dim3A_105 : vector<16xi1>, vector<16xf32>
      %add3A_111 = arith.addf %add3A_96, %select_n3A : vector<16xf32>
      %eq3A_112 = arith.constant 1 : i32
      %eq3A_113 = vector.broadcast %eq3A_112 : i32 to vector<16xi32>
      %eq3A_114 = arith.cmpi eq, %iota3A, %eq3A_113 : vector<16xi32>
      %get3A_115 = arith.constant 0 : index
      %get3A_116 = tpu.vector_load %arg12[%get3A_115] {strides = array<i32>} : memref<16xf32, #tpu.memory_space<vmem>>, vector<16xf32>,
      %select_n3A_117 = arith.select %eq3A_114, %get3A_116, %broadcast_in_dim3A_105 : vector<16xi1>, vector<16xf32>
      %add3A_118 = arith.addf %add3A_111, %select_n3A_117 : vector<16xf32>
      %reduce_sum3A = arith.constant true
      %reduce_sum3A_119 = vector.broadcast %reduce_sum3A : i1 to vector<16xi1>
      %reduce_sum3A_120 = tpu.scan <sum>, %add3A_118 masked %reduce_sum3A_119 : vector<16xf32>, vector<16xi1> -> vector<16xf32>
      %reduce_sum3A_121 = vector.extract %reduce_sum3A_120[15] : f32 from vector<16xf32>
      %add3A_122 = arith.constant 3.200000e+00 : f32
      %add3A_123 = arith.addf %reduce_sum3A_121, %add3A_122 : f32
      %broadcast_in_dim3A_124 = vector.broadcast %add3A_123 : f32 to vector<16xf32>
      %swap3A = arith.constant 0 : index
      %swap3A_125 = tpu.vector_load %arg13[%swap3A] {strides = array<i32>} : memref<16xf32, #tpu.memory_space<vmem>>, vector<16xf32>,
      tpu.vector_store %arg13[%swap3A], %broadcast_in_dim3A_124 {strides = array<i32>} : memref<16xf32, #tpu.memory_space<vmem>>, vector<16xf32>,
      "tpu.region"() ({
        %run_scoped3A = tpu.sem_alloc : memref<!tpu.dma_semaphore, #tpu.memory_space<semaphore_mem>>
        %dma_start3A_126 = arith.constant 0 : i32
        %dma_start3A_127 = tpu.memref_slice %arg13[%dma_start3A_126] : memref<16xf32, #tpu.memory_space<vmem>> -> memref<1xf32, #tpu.memory_space<vmem>>
        %dma_start3A_128 = arith.constant 0 : i32
        %dma_start3A_129 = tpu.memref_slice %arg13[%dma_start3A_128] : memref<16xf32, #tpu.memory_space<vmem>> -> memref<1xf32, #tpu.memory_space<vmem>>
        tpu.enqueue_dma source(%dma_start3A_129 : memref<1xf32, #tpu.memory_space<vmem>>) target(%arg7 : memref<1xf32, #tpu.memory_space<hbm>>) target_semaphore(%run_scoped3A : memref<!tpu.dma_semaphore, #tpu.memory_space<semaphore_mem>>)
        %dma_wait3A_130 = arith.constant 0 : i32
        %dma_wait3A_131 = tpu.memref_slice %arg13[%dma_wait3A_130] : memref<16xf32, #tpu.memory_space<vmem>> -> memref<1xf32, #tpu.memory_space<vmem>>
        %dma_wait3A_132 = arith.constant 0 : i32
        %dma_wait3A_133 = tpu.memref_slice %arg13[%dma_wait3A_132] : memref<16xf32, #tpu.memory_space<vmem>> -> memref<1xf32, #tpu.memory_space<vmem>>
        tpu.wait_dma2 semaphore(%run_scoped3A : memref<!tpu.dma_semaphore, #tpu.memory_space<semaphore_mem>>) src(%dma_wait3A_133 : memref<1xf32, #tpu.memory_space<vmem>>) dst(%arg7 : memref<1xf32, #tpu.memory_space<hbm>>)
        tpu.yield
      }) : () -> ()
    } else {
    }
    return
  }
}

</mosaic_0001>

<sc_bundles>
// kernel: kernel.3.cloned.1.call-start
scs
__scs_entry_jumppad:
0x0: {  	(pc) =	sbr.rel $0x88, $3  }
0x1: {  	(tag) =	ssettag $0x0;
	lr =	simm.s32 $0x1  }
0x2: {  	[smem:$0x3F9C] =	sst lr;
	_ =	strace $0xD0000000  }
0x3: {  	_ = 	snop  }
0x4: {  	_ = 	snop  }
0x5: {  	_ = 	snop  }
0x6: {  	_ = 	snop  }
0x7: {  	_ = 	snop  }
__scs_overlays_trampoline_lowered:
0x8: {  	[smem:$0x3FAB] =	sst s0  }
0x9: {  	[smem:$0x3FAC] =	sst s1  }
0xa: {  	[smem:$0x3FAD] =	sst s2  }
0xb: {  	[smem:$0x3FAE] =	sst s3  }
0xc: {  	[smem:$0x3FAF] =	sst s4  }
0xd: {  	[smem:$0x3FB0] =	sst s5  }
0xe: {  	[smem:$0x3FB1] =	sst s6  }
0xf: {  	[smem:$0x3FB2] =	sst s7  }
0x10: {  	[smem:$0x3FB3] =	sst s8  }
0x11: {  	[smem:$0x3FB4] =	sst s9;
	s0 =	simm.s32 @!p0 $0x0  }
0x12: {  	s1 =	sld [smem:$0x3F9A];
	s0 =	simm.s32 @p0 $0x1  }
0x13: {  	[smem:$0x3FB5] =	sst s0;
	s0 =	simm.s32 @!p1 $0x0  }
0x14: {  	s2 =	sld [smem:$0x3F99];
	s0 =	simm.s32 @p1 $0x1  }
0x15: {  	[smem:$0x3FB6] =	sst s0;
	s0 =	simm.s32 @!p2 $0x0  }
0x16: {  	s3 =	sld [smem:$0x3FDB];
	s0 =	simm.s32 @p2 $0x1  }
0x17: {  	s4 =	simm.s32 $0x1BF5;
	[smem:$0x3FB8] =	sst s0  }
0x18: {  	s0 =	sld [smem:$0x3F9B];
	_ =	swait.ge [sflag:s4], $0x0  }
0x19: {  	s7 =	sld [smem:$0x3F9C]  }
0x1a: {  	s8 =	sadd.s32 $0xFFFFE003, lr  }
0x1b: {  	s9 =	sadd.s32 $0xFFFFFEF7, lr;
	s5 =	simm.s32 $0xFFFFFFFF;
	p2 =	slt.u32 s8, $0xFFFFF086  }
0x1c: {  	p1 =	slt.u32 s9, $0xF7A;
	s5 =	simm.s32 @!p2 $0x0  }
0x1d: {  	s5 =	simm.s32 @p1 $0x1;
	p0 =	seq.s32 s7, s2  }
0x1e: {  	s7 =	smul.u32 @!p0 $0xF7A, s2;
	p2 =	seq.s32 @!p0 s5, $0x0  }
0x1f: {  	s9 =	smul.u32 $0xF7A, s1;
	s8 =	simm.s32 @!p0 $0x1BF5;
	p2 =	por !p2, p0  }
0x20: {  	[sflag:s8] =	ssyncset.s32 @!p0 $0xFFFFF086;
	s6 =	sadd.s32 @!p0 s3, s7;
	s7 =	simm.s32 @!p0 $0x108  }
0x21: {  	s3 =	sadd.s32 s3, s9;
	s6 =	sadd.s32 @!p0 $0x88, s6;
	s7 =	simm.s32 @p2 $0x1082  }
0x22: {  	[simem:s7], [sflag:s8] =	dma.local @!p0 [hbm:s6], $0xF7A  }
0x23: {  	s9 =	sor.u32 $0xD0000000, s2;
	s6 =	simm.s32 $0x108;
	_ =	swait.ge @!p0 [sflag:s8], $0x0  }
0x24: {  	s3 =	sadd.s32 $0x88, s3;
	s6 =	simm.s32 @!p1 $0x1082;
	[sflag:s4] =	ssyncset.s32 $0xFFFFF086  }
0x25: {  	[simem:s6], [sflag:s4] =	dma.local [hbm:s3], $0xF7A  }
0x26: {  	[smem:$0x3F9C] =	sst s1;
	(tag) =	ssettag s2;
	_ =	strace s9  }
0x27: {  	s1 =	sld [smem:$0x3FAC]  }
0x28: {  	s2 =	sld [smem:$0x3FAD]  }
0x29: {  	s4 =	sld [smem:$0x3FAF]  }
0x2a: {  	p0 =	seq.s32 s5, $0x0;
	s5 =	sld [smem:$0x3FB0]  }
0x2b: {  	s6 =	sld [smem:$0x3FB1]  }
0x2c: {  	s7 =	sld [smem:$0x3FB2]  }
0x2d: {  	s3 =	simm.s32 $0x108;
	s8 =	sld [smem:$0x3FB3]  }
0x2e: {  	s3 =	simm.s32 @!p0 $0x1082;
	s9 =	sld [smem:$0x3FB4]  }
0x2f: {  	lr =	sadd.s32 s0, s3;
	s0 =	sld [smem:$0x3FAB]  }
0x30: {  	s3 =	sld [smem:$0x3FAE]  }
0x31: {  	[smem:$0x3FB7] =	sst s10  }
0x32: {  	s10 =	sld [smem:$0x3FB5];
	_ =	sdelay $0x3  }
0x33: {  	p0 =	seq.s32 s10, $0x1;
	s10 =	sld [smem:$0x3FB7];
	_ =	sdelay $0x3  }
0x34: {  	[smem:$0x3FB7] =	sst s10  }
0x35: {  	s10 =	sld [smem:$0x3FB6];
	_ =	sdelay $0x3  }
0x36: {  	p1 =	seq.s32 s10, $0x1;
	s10 =	sld [smem:$0x3FB7];
	_ =	sdelay $0x3  }
0x37: {  	[smem:$0x3FB7] =	sst s10  }
0x38: {  	s10 =	sld [smem:$0x3FB8]  }
0x39: {  	_ = 	snop;
	(pc) =	sbr.ind lr, $3  }
0x3a: {  	_ = 	snop  }
0x3b: {  	_ = 	snop  }
0x3c: {  	p2 =	seq.s32 s10, $0x1;
	s10 =	sld [smem:$0x3FB7]  }
0x3d: {  	_ =	shalt  }
0x3e: {  	_ =	shalt  }
0x3f: {  	_ =	shalt  }
0x40: {  	_ =	shalt  }
0x41: {  	_ =	shalt  }
0x42: {  	_ =	shalt  }
0x43: {  	_ =	shalt  }
0x44: {  	_ =	shalt  }
0x45: {  	_ =	shalt  }
0x46: {  	_ =	shalt  }
0x47: {  	_ =	shalt  }
0x48: {  	_ =	shalt  }
0x49: {  	_ =	shalt  }
0x4a: {  	_ =	shalt  }
0x4b: {  	_ =	shalt  }
0x4c: {  	_ =	shalt  }
0x4d: {  	_ =	shalt  }
0x4e: {  	_ =	shalt  }
0x4f: {  	_ =	shalt  }
0x50: {  	_ =	shalt  }
0x51: {  	_ =	shalt  }
0x52: {  	_ =	shalt  }
0x53: {  	_ =	shalt  }
0x54: {  	_ =	shalt  }
0x55: {  	_ =	shalt  }
0x56: {  	_ =	shalt  }
0x57: {  	_ =	shalt  }
0x58: {  	_ =	shalt  }
0x59: {  	_ =	shalt  }
0x5a: {  	_ =	shalt  }
0x5b: {  	_ =	shalt  }
0x5c: {  	_ =	shalt  }
0x5d: {  	_ =	shalt  }
0x5e: {  	_ =	shalt  }
0x5f: {  	_ =	shalt  }
0x60: {  	_ =	shalt  }
0x61: {  	_ =	shalt  }
0x62: {  	_ =	shalt  }
0x63: {  	_ =	shalt  }
0x64: {  	_ =	shalt  }
0x65: {  	_ =	shalt  }
0x66: {  	_ =	shalt  }
0x67: {  	_ =	shalt  }
0x68: {  	_ =	shalt  }
0x69: {  	_ =	shalt  }
0x6a: {  	_ =	shalt  }
0x6b: {  	_ =	shalt  }
0x6c: {  	_ =	shalt  }
0x6d: {  	_ =	shalt  }
0x6e: {  	_ =	shalt  }
0x6f: {  	_ =	shalt  }
0x70: {  	_ =	shalt  }
0x71: {  	_ =	shalt  }
0x72: {  	_ =	shalt  }
0x73: {  	_ =	shalt  }
0x74: {  	_ =	shalt  }
0x75: {  	_ =	shalt  }
0x76: {  	_ =	shalt  }
0x77: {  	_ =	shalt  }
0x78: {  	_ =	shalt  }
0x79: {  	_ =	shalt  }
0x7a: {  	_ =	shalt  }
0x7b: {  	_ =	shalt  }
0x7c: {  	_ =	shalt  }
0x7d: {  	_ =	shalt  }
0x7e: {  	_ =	shalt  }
0x7f: {  	_ =	shalt  }
0x80: {  	_ =	shalt  }
0x81: {  	_ =	shalt  }
0x82: {  	_ =	shalt  }
0x83: {  	_ =	shalt  }
0x84: {  	_ =	shalt  }
0x85: {  	_ =	shalt  }
0x86: {  	_ =	shalt  }
0x87: {  	_ =	shalt  }
.Lfunc_end0:
.L_simem_size_0:
called_computation_lowered:
.L_overlay_start_0:
0x88: {  	s0 =	sld [smem:$0x3FD9]  }
0x89: {  	s1 =	sld [smem:$0x3FFE];
	_ =	sdelay $0x3  }
0x8a: {  	s0 =	sadd.s32 s1, s0  }
0x8b: {  	[smem:$0x3FC3] =	sst s0  }
0x8c: {  	_ = 	snop  }
0x8d: {  	s0 =	sld [smem:$0x3FC9]  }
0x8e: {  	s17 =	sld [smem:$0x3FC8]  }
0x8f: {  	s2 =	sld [smem:$0x3FC7]  }
0x90: {  	s3 =	sld [smem:$0x3FC6]  }
0x91: {  	s4 =	sld [smem:$0x3FC5]  }
0x92: {  	s5 =	sld [smem:$0x3FD0];
	(tm) =	ssettm $0x1  }
0x93: {  	s6 =	sld [smem:$0x3FFB];
	_ =	sdelay $0x3  }
0x94: {  	_ =	strace s6  }
0x95: {  	s6 =	sld [smem:$0x3FFC];
	_ =	sdelay $0x3  }
0x96: {  	_ =	strace s6  }
0x97: {  	s6 =	sld [smem:$0x3FFD];
	_ =	sdelay $0x3  }
0x98: {  	_ =	strace s6  }
0x99: {  	_ =	strace $0x8FFFFFFF  }
0x9a: {  	s18 =	sld [smem:$0x3FDB];
	_ =	sdelay $0x1  }
0x9b: {  	s7 =	simm.s32 $_scs_section_size  }
0x9c: {  	s8 =	simm.s32 $_size__tile_overlayer_lowered;
	s9 =	simm.s32 $_tile_overlayer_lowered  }
0x9d: {  	s21 =	simm.s32 $0x1BFF;
	s20 =	sshll.u32 s9, $0x1;
	s6 =	sadd.s32 s7, s18  }
0x9e: {  	s10 =	simm.s32 $0x0;
	s19 =	sshll.u32 s8, $0x1;
	s8 =	sadd.s32 s20, s6  }
0x9f: {  	[timem:s10], [sflag:s21] =	dma.local [hbm:s8], s19  }
0xa0: {  	_ =	swait.ge [sflag:s21], s19  }
0xa1: {  	s7 =	ssub.s32 $0x0, s19;
	[sflag:s21] =	ssyncset.done $0x0  }
0xa2: {  	[sflag:s21] =	ssyncadd.s32 s7;
	_ =	sdelay $0x1  }
0xa3: {  	s22 =	simm.s32 $0x1B8B  }
0xa4: {  	_ =	swait.ge [sflag:s22], $0x1  }
0xa5: {  	[sflag:s22] =	ssyncset.done $0x0  }
0xa6: {  	s23 =	simm.s32 $0x1B8E;
	[sflag:s22] =	ssyncadd.s32 $0xFFFFFFFF  }
0xa7: {  	s24 =	simm.s32 $execute0_lowered;
	[smem:$0x3FD2] =	sst s23  }
0xa8: {  	s7 =	sshll.u32 s24, $0x1;
	_ =	strace $0x80000046;
	[dreg:$0x1] =	wrdreg $0xFFFFFFFF  }
0xa9: {  	s25 =	simm.s32 $_size_execute0_lowered;
	s6 =	sadd.s32 s6, s7;
	[dreg:$0x0] =	wrdreg $0x0  }
0xaa: {  	s7 =	sshll.u32 s25, $0x1;
	[dreg:$0x2] =	wrdreg s6  }
0xab: {  	[dreg:$0x3] =	wrdreg s7  }
0xac: {  	[dreg:$0x4] =	wrdreg $0xC0  }
0xad: {  	_ =	task [dreg:s10], $0x5FFFF  }
0xae: {  	[dreg:$0x1] =	wrdreg $0xFFFFFFFF  }
0xaf: {  	[dreg:$0x0] =	wrdreg $0x60  }
0xb0: {  	[dreg:$0x2] =	wrdreg s0  }
0xb1: {  	[dreg:$0x3] =	wrdreg s17  }
0xb2: {  	[dreg:$0x4] =	wrdreg s2  }
0xb3: {  	[dreg:$0x5] =	wrdreg s3  }
0xb4: {  	[dreg:$0x6] =	wrdreg s4  }
0xb5: {  	[dreg:$0x7] =	wrdreg s5  }
0xb6: {  	[dreg:$0x8] =	wrdreg $0x9  }
0xb7: {  	_ =	task.clear_ibuf [dreg:s10], $0x9FFFF;
	_ =	strace $0x90000046  }
0xb8: {  	s26 =	simm.s32 $0x9;
	_ =	strace $0x80000048  }
0xb9: {  	_ =	swait.ge [sflag:s26], $0x1  }
0xba: {  	[sflag:s26] =	ssyncadd.s32 $0xFFFFFFFF  }
0xbb: {  	_ =	strace $0x90000048  }
0xbc: {  	_ =	sfence  }
0xbd: {  	s28 =	sld [smem:$0x0];
	_ =	sdelay $0x1  }
0xbe: {  	s29 =	srdreg.scid  }
0xbf: {  	s30 =	sshll.u32 s29, $0xD;
	s31 =	sshrl.u32 s29, $0x2  }
0xc0: {  	s1 =	sand.u32 $0x1, s29;
	s2 =	sand.u32 $0x4000, s30;
	s0 =	sadd.s32 s31, s28  }
0xc1: {  	s1 =	sor.u32 s2, s1;
	s0 =	sshll.u32 s0, $0x11  }
0xc2: {  	s0 =	sor.u32 s0, s1  }
0xc3: {  	s0 =	sadd.s32 $0x8F2B, s0  }
0xc4: {  	[sflag:s0] =	ssyncadd.remote.s32 $0x1  }
0xc5: {  	_ =	sfence.sel $0xFFFF  }
0xc6: {  	[dreg:$0x0] =	wrdreg $0xFFFFFFFF;
	(pc) =	sbr.abs _section_cstart, $3  }
0xc7: {  	[dreg:$0x1] =	wrdreg $0xFFFFFFFF  }
0xc8: {  	_ =	task.clear_ibuf [dreg:s10], $0x2FFFF;
	_ =	strace $0x9FFFFFFF  }
0xc9: {  	(tm) =	ssettm $0x7FFFFFFF  }
tec
execute0_lowered:
.L_overlay_start_1:
0x0: {  	(tag) =	ssettag $0x1  }
0x1: {  	s2 =	rddreg [dreg:$0x0];
	s3 =	stileid.u32  }
0x2: {  	s7 =	rddreg [dreg:$0x1];
	p0 =	sne.s32 s3, $0x0  }
.Ltmp0:
0x3: {  	s6 =	rddreg [dreg:$0x2];
	(pc) =	sbr.rel @p0 .LBB2_2-.Ltmp0, $4  }
0x4: {  	s5 =	rddreg [dreg:$0x3]  }
0x5: {  	s4 =	rddreg [dreg:$0x4]  }
0x6: {  	s1 =	rddreg [dreg:$0x5]  }
0x7: {  	s0 =	rddreg [dreg:$0x6];
	_ =	strace $0x80000047  }
0x8: {  	s3 =	simm.s32 $0x0;
	s24 =	simm.s32 $0x2  }
0x9: {  	[tilespmem:s3], [sflag:$0x2] =	stream.linear.gather [hbm4b:s2+s3], $0x8, $0x38;
	[tilespmem:$0x238] =	vst v63  }
0xa: {  	_ =	swait.ge [sflag:s24], $0x8  }
0xb: {  	[sflag:s24] =	ssyncset.done $0x0  }
0xc: {  	s8 =	simm.s32 $0x8;
	[sflag:s24] =	ssyncadd.s32 $0xFFFFFFF8  }
0xd: {  	[tilespmem:s8], [sflag:$0x1] =	stream.indirect.gather [hbm4b:s7+s24], $0x80, s3, s24, $0xb8;
	[tilespmem:$0x238] =	vst v63  }
0xe: {  	s25 =	simm.s32 $0x108  }
0xf: {  	[tilespmem:s25], [sflag:$0x1] =	stream.indirect.gather [hbm4b:s6+s24], $0x80, s3, s24, $0xb8;
	[tilespmem:$0x238] =	vst v63  }
0x10: {  	s26 =	simm.s32 $0x208  }
0x11: {  	[tilespmem:s26], [sflag:$0x1] =	stream.indirect.gather [hbm4b:s5+s24], $0x1, s3, s24, $0xb8;
	[tilespmem:$0x238] =	vst v63  }
0x12: {  	s28 =	simm.s32 $0x218;
	s29 =	simm.s32 $0x1  }
0x13: {  	[tilespmem:s28], [sflag:$0x1] =	stream.indirect.gather [hbm4b:s4+s24], $0x1, s3, s24, $0xb8;
	[tilespmem:$0x238] =	vst v63  }
0x14: {  	_ =	swait.ge [sflag:s29], $0x100  }
0x15: {  	[sflag:s29] =	ssyncset.done $0x0  }
0x16: {  	[sflag:s29] =	ssyncadd.s32 $0xFFFFFF00  }
0x17: {  	_ =	swait.ge [sflag:s29], $0x100  }
0x18: {  	[sflag:s29] =	ssyncset.done $0x0  }
0x19: {  	[sflag:s29] =	ssyncadd.s32 $0xFFFFFF00  }
0x1a: {  	v0 =	vld [tilespmem:$0x8]  }
0x1b: {  	v1 =	vld [tilespmem:$0x188]  }
0x1c: {  	v2 =	vld [tilespmem:$0x18]  }
0x1d: {  	v3 =	vld [tilespmem:$0x198]  }
0x1e: {  	v4 =	vld [tilespmem:$0x28]  }
0x1f: {  	v5 =	vld [tilespmem:$0x1A8]  }
0x20: {  	v6 =	vld [tilespmem:$0x38]  }
0x21: {  	v7 =	vld [tilespmem:$0x1B8]  }
0x22: {  	v8 =	vld [tilespmem:$0x48]  }
0x23: {  	v9 =	vld [tilespmem:$0x1C8]  }
0x24: {  	v10 =	vld [tilespmem:$0x58]  }
0x25: {  	v11 =	vld [tilespmem:$0x1D8];
	v0 =	vmul.f32 v1, v0;
	v48 =	vmul.f32 v3, v2  }
0x26: {  	v49 =	vld [tilespmem:$0x68]  }
0x27: {  	v50 =	vld [tilespmem:$0x1E8];
	v51 =	vmul.f32 v5, v4;
	v0 =	vadd.f32 v48, v0  }
0x28: {  	v52 =	vld [tilespmem:$0x78]  }
0x29: {  	v53 =	vld [tilespmem:$0x1F8];
	_ =	swait.ge [sflag:s29], $0x2;
	v54 =	vmul.f32 v7, v6;
	v0 =	vadd.f32 v51, v0  }
0x2a: {  	[sflag:s29] =	ssyncset.done $0x0  }
0x2b: {  	[sflag:s29] =	ssyncadd.s32 $0xFFFFFFFE;
	v55 =	vmul.f32 v9, v8;
	v0 =	vadd.f32 v54, v0  }
0x2c: {  	_ =	swait.ge [sflag:s29], $0x2  }
0x2d: {  	[sflag:s29] =	ssyncset.done $0x0;
	v56 =	vmul.f32 v11, v10;
	v0 =	vadd.f32 v55, v0  }
0x2e: {  	[sflag:s29] =	ssyncadd.s32 $0xFFFFFFFE  }
0x2f: {  	v57 =	vmul.f32 v50, v49;
	v58 =	vld [tilespmem:$0x208];
	v0 =	vadd.f32 v56, v0;
	_ =	sdelay $0x1  }
0x30: {  	v59 =	vmul.f32 v53, v52;
	v60 =	vld [tilespmem:$0x218];
	v0 =	vadd.f32 v57, v0;
	_ =	sdelay $0x1  }
0x31: {  	vm0 =	vmmov $0x1;
	v0 =	vadd.f32 v59, v0  }
0x32: {  	v61 =	vnsel vm0, $0x0, v58  }
0x33: {  	vm15 =	vcmask $0x308;
	v0 =	vadd.f32 v61, v0  }
0x34: {  	v62 =	vsel vm15, $0x0, v60  }
0x35: {  	v0 =	vadd.f32 v62, v0;
	_ =	sdelay $0x1  }
0x36: {  	(xrf2) =	vadd.scan.msk.f32 $0xffff, v0;
	_ =	sdelay $0x9  }
0x37: {  	v0, _, _ =	vpop (xrf2)  }
0x38: {  	(v2sf) =	vpush v0, $0xF;
	_ =	sdelay $0xe  }
0x39: {  	s30 =	spop (v2sf)  }
0x3a: {  	s4 =	sadd.f32 $3.200000050e+00, s30;
	_ =	sdelay $0x1  }
0x3b: {  	v63 =	vmov s4  }
0x3c: {  	s31 =	simm.s32 $0x228;
	[tilespmem:$0x228] =	vst v63  }
0x3d: {  	[hbm4b:s1+s3] =	stream.linear.scatter [tilespmem:s31], [sflag:$0x2], $0x1, $0x38;
	[tilespmem:$0x238] =	vst v63  }
0x3e: {  	_ =	swait.ge [sflag:s24], $0x1  }
0x3f: {  	[sflag:s24] =	ssyncset.done $0x0  }
0x40: {  	[sflag:s24] =	ssyncadd.s32 $0xFFFFFFFF  }
.LBB2_2:
0x41: {  	_ =	sfence.sel $0x180000  }
0x42: {  	[bflag:$0x0] =	sbarrier.arrive $0xFFFF  }
0x43: {  	_ =	strace $0x90000047  }
0x44: {  	s0 =	sadd.s32 @!p0 $0x100000, s0;
	[bflag:$0x2] =	sbarrier.arrive $0xFFFF  }
0x45: {  	[sflag:s0] =	ssyncadd.tile.s32 @!p0 $0x1;
	_ =	shalt  }
.Lfunc_end2:
_tile_overlayer_lowered:
.L_overlay_start_2:
0x46: {  	(tag) =	ssettag $0x2  }
0x47: {  	s0 =	rddreg [dreg:$0x0];
	s2 =	stileid.u32  }
0x48: {  	s1 =	rddreg [dreg:$0x1];
	p0 =	sne.s32 s2, $0x0  }
0x49: {  	s3 =	rddreg [dreg:$0x2];
	[bflag:$0x3] =	sbarrier.arrive $0xFFFF;
	s2 =	simm.s32 @!p0 $0x1C02  }
0x4a: {  	[timem:s3], [sflag:s2] =	dma.local @!p0 [hbm:s0], s1  }
0x4b: {  	s0 =	simm.s32 @!p0 $0x2  }
0x4c: {  	_ =	swait.ge @!p0 [sflag:s0], s1  }
0x4d: {  	s1 =	ssub.s32 @!p0 $0x0, s1;
	[sflag:s0] =	ssyncset.done @!p0 $0x0  }
0x4e: {  	[sflag:s0] =	ssyncadd.s32 @!p0 s1  }
0x4f: {  	[bflag:$0x3] =	sbarrier.arrive $0xFFFF  }
0x50: {  	_ =	shalt  }

</sc_bundles>
